<compile_context>
chip_gen: v7x
topology: tpu7x:2x2x1
jax: 0.10.2.dev20260603
libtpu: 0.0.44.dev20260713+nightly
codegen_flags: <defaults>
</compile_context>

<pallas_src>
import functools

import jax
import jax.numpy as jnp
from jax import lax
from jax.experimental import pallas as pl
from jax.experimental.pallas import tpu as pltpu
from jax.experimental.pallas import tpu_sc as plsc

ROW_TILE = 1024


def _split3(v):
    s1 = v.astype(jnp.bfloat16)
    r1 = v - s1.astype(jnp.float32)
    s2 = r1.astype(jnp.bfloat16)
    r2 = r1 - s2.astype(jnp.float32)
    s3 = r2.astype(jnp.bfloat16)
    return s1, s2, s3


def _dist_argmin_body(x_ref, cb_ref, idx_ref, loss_ref,
                      cba_ref, iota_ref, cbq_ref):
    i = pl.program_id(0)
    x = x_ref[:]
    t = x.shape[0]
    d = x.shape[1]

    @pl.when(i == 0)
    def _prep():
        cb = cb_ref[:]
        c2 = jnp.sum(cb * cb, axis=1, keepdims=True)
        c1s, c2s, c3s = _split3(-2.0 * cb)
        q1, q2, q3 = _split3(c2)
        cba_ref[:] = jnp.concatenate(
            [c1s, c2s, c2s, c1s, c3s, c1s, q1, q2, q3], axis=1)
        iota_ref[:] = lax.broadcasted_iota(
            jnp.int32, iota_ref.shape, 1).astype(jnp.float32)
        e1, e2, e3 = _split3(cb)
        cbq_ref[:] = jnp.concatenate([e1, e2, e3], axis=1)

    x1, x2, x3 = _split3(x)
    ones = jnp.ones((t, 3), jnp.bfloat16)
    xa = jnp.concatenate([x1, x2, x1, x2, x1, x3, ones], axis=1)
    score = lax.dot_general(
        xa, cba_ref[:], (((1,), (1,)), ((), ())),
        preferred_element_type=jnp.float32)
    m = jnp.min(score, axis=1, keepdims=True)
    n_k = score.shape[1]
    iota = iota_ref[:]
    idx = jnp.min(jnp.where(score == m, iota, float(n_k)),
                  axis=1, keepdims=True)
    idx_ref[:] = idx.astype(jnp.int32)

    mask_a = iota == idx

    x2 = jnp.sum(x * x, axis=1, keepdims=True)
    part = jnp.sum(m + x2)

    score2 = jnp.where(mask_a, jnp.float32(3e38), score)
    m2 = jnp.min(score2, axis=1, keepdims=True)
    amb = jnp.min(m2 - m) < 2e-4

    @pl.when(amb)
    def _rescue():
        i2 = jnp.min(jnp.where(score2 == m2, iota, float(n_k)),
                     axis=1, keepdims=True)
        qt = lax.dot_general(
            mask_a.astype(jnp.bfloat16), cbq_ref[:], (((1,), (0,)), ((), ())),
            preferred_element_type=jnp.float32)
        qa = qt[:, :d] + qt[:, d:2 * d] + qt[:, 2 * d:]
        qt2 = lax.dot_general(
            (iota == i2).astype(jnp.bfloat16), cbq_ref[:],
            (((1,), (0,)), ((), ())),
            preferred_element_type=jnp.float32)
        qb = qt2[:, :d] + qt2[:, d:2 * d] + qt2[:, 2 * d:]
        da = jnp.sqrt(jnp.sum((x - qa) ** 2, axis=1, keepdims=True))
        db = jnp.sqrt(jnp.sum((x - qb) ** 2, axis=1, keepdims=True))
        swap = (db < da) | ((db == da) & (i2 < idx))
        idx_ref[:] = jnp.where(swap, i2, idx).astype(jnp.int32)

    @pl.when(i == 0)
    def _init():
        loss_ref[0] = 0.0

    loss_ref[0] = loss_ref[0] + part


def _distances_and_argmin(x, codebook):
    b, d = x.shape
    k = codebook.shape[0]
    tile = min(ROW_TILE, b)
    grid = (b // tile,)
    idx, loss_sum = pl.pallas_call(
        _dist_argmin_body,
        grid=grid,
        in_specs=[
            pl.BlockSpec((tile, d), lambda i: (i, 0)),
            pl.BlockSpec((k, d), lambda i: (0, 0)),
        ],
        out_specs=[
            pl.BlockSpec((tile, 1), lambda i: (i, 0)),
            pl.BlockSpec(memory_space=pltpu.SMEM),
        ],
        out_shape=[
            jax.ShapeDtypeStruct((b, 1), jnp.int32),
            jax.ShapeDtypeStruct((1,), jnp.float32),
        ],
        scratch_shapes=[pltpu.VMEM((k, 6 * d + 3), jnp.bfloat16),
                        pltpu.VMEM((tile, k), jnp.float32),
                        pltpu.VMEM((k, 3 * d), jnp.bfloat16)],
    )(x, codebook)
    return idx.reshape(b), loss_sum[0] / (b * d)


def _sc_gather(codebook, idx):
    k, d = codebook.shape
    b = idx.shape[0]
    info = plsc.get_sparse_core_info()
    nc, ns = info.num_cores, info.num_subcores
    nw = nc * ns
    b_per_w = b // nw
    ch = 128
    n_ch = b_per_w // ch
    idx2d = idx.reshape(b // ch, ch)
    mesh = plsc.VectorSubcoreMesh(core_axis_name="c", subcore_axis_name="s")

    @functools.partial(
        pl.kernel,
        mesh=mesh,
        compiler_params=pltpu.CompilerParams(use_tc_tiling_on_sc=False),
        out_type=jax.ShapeDtypeStruct((b, d), jnp.float32),
        scratch_types=[
            pltpu.VMEM((n_ch, ch), jnp.int32),
            pltpu.VMEM((b_per_w, d), jnp.float32),
            pltpu.SemaphoreType.DMA,
            pltpu.SemaphoreType.DMA,
        ],
    )
    def gather_kernel(table_hbm, idx_hbm, out_hbm, idx_v, rows_v, sem_g, sem_o):
        wid = lax.axis_index("s") * nc + lax.axis_index("c")
        base = wid * b_per_w
        pltpu.sync_copy(idx_hbm.at[pl.ds(wid * n_ch, n_ch)], idx_v)
        gathers = []
        for j in range(n_ch):
            gathers.append(pltpu.async_copy(
                table_hbm.at[idx_v.at[j]],
                rows_v.at[pl.ds(j * ch, ch)], sem_g))
        outs = []
        for j in range(n_ch):
            gathers[j].wait()
            outs.append(pltpu.async_copy(
                rows_v.at[pl.ds(j * ch, ch)],
                out_hbm.at[pl.ds(base + j * ch, ch)], sem_o))
        for c in outs:
            c.wait()

    return gather_kernel(codebook, idx2d)


def kernel(x, codebook):
    idx, loss = _distances_and_argmin(x, codebook)
    quant = _sc_gather(codebook, idx)
    return quant, loss, loss, idx

# --- scband reference (transcript-rebuilt; emitter-appended) ---
"""Pipeline reference for scband-quantizer-10350871183376 (READ-ONLY COPY).

The authoritative reference and input builder live on the scoring server;
editing this copy changes nothing except your own understanding.
"""

import jax, jax.numpy as jnp
import numpy as np

CODEBOOK_SIZE = 1024
LATENT_DIM = 64
B = 16384


def setup_inputs(seed: int = 0) -> dict:
    key = jax.random.key(seed)
    k1, k2 = jax.random.split(key)
    x = jax.random.normal(k1, (B, LATENT_DIM), dtype=jnp.float32)
    # nn.Embedding default init: N(0, 1)
    codebook = jax.random.normal(k2, (CODEBOOK_SIZE, LATENT_DIM), dtype=jnp.float32)
    return {"x": x, "codebook": codebook}


def reference(x, codebook):
    # torch.cdist(x.unsqueeze(1), W[None]) -> euclidean distances [B, 1, K]
    diff = x[:, None, :] - codebook[None, :, :]
    dist = jnp.sqrt(jnp.sum(diff * diff, axis=-1))  # [B, K]
    min_encoding_indices = jnp.argmin(dist, axis=-1)  # [B]
    quant = jnp.take(codebook, min_encoding_indices, axis=0)  # embedding lookup [B, D]
    commitment_loss = jnp.mean((jax.lax.stop_gradient(quant) - x) ** 2)
    codebook_loss = jnp.mean((quant - jax.lax.stop_gradient(x)) ** 2)
    # straight-through estimator
    quant_out = x + jax.lax.stop_gradient(quant - x)
    return (quant_out, codebook_loss, commitment_loss, min_encoding_indices)

if __name__ == "__main__":
    import jax
    _d = setup_inputs()
    print(jax.jit(kernel)(*tuple(_d.values())))

</pallas_src>

<mosaic_0001>
#map = affine_map<(d0, d1) -> (0, 0)>
module attributes {stable_mosaic.version = 14 : i64} {
  func.func @gather_kernel(%arg0: i32, %arg1: i32, %arg2: memref<1024x64xf32, #tpu.memory_space<hbm>>, %arg3: memref<128x128xi32, #tpu.memory_space<hbm>>, %arg4: memref<16384x64xf32, #tpu.memory_space<hbm>>, %arg5: memref<4x128xi32, #tpu.memory_space<vmem>>, %arg6: memref<512x64xf32, #tpu.memory_space<vmem>>, %arg7: memref<!tpu.dma_semaphore, #tpu.memory_space<semaphore_mem>>, %arg8: memref<!tpu.dma_semaphore, #tpu.memory_space<semaphore_mem>>) attributes {dimension_semantics = [#tpu.dimension_semantics<core_parallel>, #tpu.dimension_semantics<subcore_parallel>], iteration_bounds = array<i64: 2, 16>, scalar_prefetch = 0 : i64, scratch_operands = 4 : i64, tpu.core_type = #tpu.core_type<sc_vector_subcore>, window_params = [{transform_indices = #map}, {transform_indices = #map}, {transform_indices = #map}]} {
    %mul3A = arith.constant 2 : i32
    %mul3A_0 = arith.muli %arg1, %mul3A : i32
    %add3A = arith.addi %mul3A_0, %arg0 : i32
    %mul3A_1 = arith.constant 512 : i32
    %mul3A_2 = arith.muli %add3A, %mul3A_1 : i32
    %mul3A_3 = arith.constant 4 : i32
    %mul3A_4 = arith.muli %add3A, %mul3A_3 : i32
    "tpu.region"() ({
      %run_scoped3A = tpu.sem_alloc : memref<!tpu.dma_semaphore, #tpu.memory_space<semaphore_mem>>
      %dma_start3A_171 = arith.constant 0 : i32
      %dma_start3A_172 = tpu.memref_slice %arg3[%mul3A_4, %dma_start3A_171] : memref<128x128xi32, #tpu.memory_space<hbm>> -> memref<4x128xi32, #tpu.memory_space<hbm>>
      %dma_start3A_173 = arith.constant 0 : i32
      %dma_start3A_174 = tpu.memref_slice %arg3[%mul3A_4, %dma_start3A_173] : memref<128x128xi32, #tpu.memory_space<hbm>> -> memref<4x128xi32, #tpu.memory_space<hbm>>
      tpu.enqueue_dma source(%dma_start3A_174 : memref<4x128xi32, #tpu.memory_space<hbm>>) target(%arg5 : memref<4x128xi32, #tpu.memory_space<vmem>>) target_semaphore(%run_scoped3A : memref<!tpu.dma_semaphore, #tpu.memory_space<semaphore_mem>>)
      %dma_wait3A_175 = arith.constant 0 : i32
      %dma_wait3A_176 = tpu.memref_slice %arg3[%mul3A_4, %dma_wait3A_175] : memref<128x128xi32, #tpu.memory_space<hbm>> -> memref<4x128xi32, #tpu.memory_space<hbm>>
      %dma_wait3A_177 = arith.constant 0 : i32
      %dma_wait3A_178 = tpu.memref_slice %arg3[%mul3A_4, %dma_wait3A_177] : memref<128x128xi32, #tpu.memory_space<hbm>> -> memref<4x128xi32, #tpu.memory_space<hbm>>
      tpu.wait_dma2 semaphore(%run_scoped3A : memref<!tpu.dma_semaphore, #tpu.memory_space<semaphore_mem>>) src(%dma_wait3A_178 : memref<4x128xi32, #tpu.memory_space<hbm>>) dst(%arg5 : memref<4x128xi32, #tpu.memory_space<vmem>>)
      tpu.yield
    }) : () -> ()
    %dma_start3A = arith.constant 0 : i32
    %dma_start3A_5 = arith.constant 0 : i32
    %dma_start3A_6 = arith.constant 0 : i32
    %dma_start3A_7 = tpu.memref_slice %arg6[%dma_start3A_5, %dma_start3A_6] : memref<512x64xf32, #tpu.memory_space<vmem>> -> memref<128x64xf32, #tpu.memory_space<vmem>>
    %dma_start3A_8 = arith.constant 0 : i32
    %dma_start3A_9 = tpu.memref_slice %arg5[%dma_start3A, %dma_start3A_8] : memref<4x128xi32, #tpu.memory_space<vmem>> -> memref<1x128xi32, #tpu.memory_space<vmem>>
    %dma_start3A_10 = tpu.memref_squeeze %dma_start3A_9 : memref<1x128xi32, #tpu.memory_space<vmem>> -> memref<128xi32, #tpu.memory_space<vmem>>
    %dma_start3A_11 = arith.constant 0 : i32
    %dma_start3A_12 = arith.constant 0 : i32
    %dma_start3A_13 = tpu.memref_slice %arg2[%dma_start3A_11, %dma_start3A_12] : memref<1024x64xf32, #tpu.memory_space<hbm>> -> memref<1024x64xf32, #tpu.memory_space<hbm>>
    tpu.enqueue_indirect_dma source(%dma_start3A_13 : memref<1024x64xf32, #tpu.memory_space<hbm>>) target(%dma_start3A_7 : memref<128x64xf32, #tpu.memory_space<vmem>>) offsets(%dma_start3A_10 : memref<128xi32, #tpu.memory_space<vmem>>) semaphore(%arg7 : memref<!tpu.dma_semaphore, #tpu.memory_space<semaphore_mem>>)
    %dma_start3A_14 = arith.constant 1 : i32
    %dma_start3A_15 = arith.constant 128 : i32
    %dma_start3A_16 = arith.constant 0 : i32
    %dma_start3A_17 = tpu.memref_slice %arg6[%dma_start3A_15, %dma_start3A_16] : memref<512x64xf32, #tpu.memory_space<vmem>> -> memref<128x64xf32, #tpu.memory_space<vmem>>
    %dma_start3A_18 = arith.constant 0 : i32
    %dma_start3A_19 = tpu.memref_slice %arg5[%dma_start3A_14, %dma_start3A_18] : memref<4x128xi32, #tpu.memory_space<vmem>> -> memref<1x128xi32, #tpu.memory_space<vmem>>
    %dma_start3A_20 = tpu.memref_squeeze %dma_start3A_19 : memref<1x128xi32, #tpu.memory_space<vmem>> -> memref<128xi32, #tpu.memory_space<vmem>>
    %dma_start3A_21 = arith.constant 0 : i32
    %dma_start3A_22 = arith.constant 0 : i32
    %dma_start3A_23 = tpu.memref_slice %arg2[%dma_start3A_21, %dma_start3A_22] : memref<1024x64xf32, #tpu.memory_space<hbm>> -> memref<1024x64xf32, #tpu.memory_space<hbm>>
    tpu.enqueue_indirect_dma source(%dma_start3A_23 : memref<1024x64xf32, #tpu.memory_space<hbm>>) target(%dma_start3A_17 : memref<128x64xf32, #tpu.memory_space<vmem>>) offsets(%dma_start3A_20 : memref<128xi32, #tpu.memory_space<vmem>>) semaphore(%arg7 : memref<!tpu.dma_semaphore, #tpu.memory_space<semaphore_mem>>)
    %dma_start3A_24 = arith.constant 2 : i32
    %dma_start3A_25 = arith.constant 256 : i32
    %dma_start3A_26 = arith.constant 0 : i32
    %dma_start3A_27 = tpu.memref_slice %arg6[%dma_start3A_25, %dma_start3A_26] : memref<512x64xf32, #tpu.memory_space<vmem>> -> memref<128x64xf32, #tpu.memory_space<vmem>>
    %dma_start3A_28 = arith.constant 0 : i32
    %dma_start3A_29 = tpu.memref_slice %arg5[%dma_start3A_24, %dma_start3A_28] : memref<4x128xi32, #tpu.memory_space<vmem>> -> memref<1x128xi32, #tpu.memory_space<vmem>>
    %dma_start3A_30 = tpu.memref_squeeze %dma_start3A_29 : memref<1x128xi32, #tpu.memory_space<vmem>> -> memref<128xi32, #tpu.memory_space<vmem>>
    %dma_start3A_31 = arith.constant 0 : i32
    %dma_start3A_32 = arith.constant 0 : i32
    %dma_start3A_33 = tpu.memref_slice %arg2[%dma_start3A_31, %dma_start3A_32] : memref<1024x64xf32, #tpu.memory_space<hbm>> -> memref<1024x64xf32, #tpu.memory_space<hbm>>
    tpu.enqueue_indirect_dma source(%dma_start3A_33 : memref<1024x64xf32, #tpu.memory_space<hbm>>) target(%dma_start3A_27 : memref<128x64xf32, #tpu.memory_space<vmem>>) offsets(%dma_start3A_30 : memref<128xi32, #tpu.memory_space<vmem>>) semaphore(%arg7 : memref<!tpu.dma_semaphore, #tpu.memory_space<semaphore_mem>>)
    %dma_start3A_34 = arith.constant 3 : i32
    %dma_start3A_35 = arith.constant 384 : i32
    %dma_start3A_36 = arith.constant 0 : i32
    %dma_start3A_37 = tpu.memref_slice %arg6[%dma_start3A_35, %dma_start3A_36] : memref<512x64xf32, #tpu.memory_space<vmem>> -> memref<128x64xf32, #tpu.memory_space<vmem>>
    %dma_start3A_38 = arith.constant 0 : i32
    %dma_start3A_39 = tpu.memref_slice %arg5[%dma_start3A_34, %dma_start3A_38] : memref<4x128xi32, #tpu.memory_space<vmem>> -> memref<1x128xi32, #tpu.memory_space<vmem>>
    %dma_start3A_40 = tpu.memref_squeeze %dma_start3A_39 : memref<1x128xi32, #tpu.memory_space<vmem>> -> memref<128xi32, #tpu.memory_space<vmem>>
    %dma_start3A_41 = arith.constant 0 : i32
    %dma_start3A_42 = arith.constant 0 : i32
    %dma_start3A_43 = tpu.memref_slice %arg2[%dma_start3A_41, %dma_start3A_42] : memref<1024x64xf32, #tpu.memory_space<hbm>> -> memref<1024x64xf32, #tpu.memory_space<hbm>>
    tpu.enqueue_indirect_dma source(%dma_start3A_43 : memref<1024x64xf32, #tpu.memory_space<hbm>>) target(%dma_start3A_37 : memref<128x64xf32, #tpu.memory_space<vmem>>) offsets(%dma_start3A_40 : memref<128xi32, #tpu.memory_space<vmem>>) semaphore(%arg7 : memref<!tpu.dma_semaphore, #tpu.memory_space<semaphore_mem>>)
    %dma_wait3A = arith.constant 0 : i32
    %dma_wait3A_44 = arith.constant 0 : i32
    %dma_wait3A_45 = arith.constant 0 : i32
    %dma_wait3A_46 = tpu.memref_slice %arg6[%dma_wait3A_44, %dma_wait3A_45] : memref<512x64xf32, #tpu.memory_space<vmem>> -> memref<128x64xf32, #tpu.memory_space<vmem>>
    %dma_wait3A_47 = arith.constant 0 : i32
    %dma_wait3A_48 = tpu.memref_slice %arg5[%dma_wait3A, %dma_wait3A_47] : memref<4x128xi32, #tpu.memory_space<vmem>> -> memref<1x128xi32, #tpu.memory_space<vmem>>
    %dma_wait3A_49 = tpu.memref_squeeze %dma_wait3A_48 : memref<1x128xi32, #tpu.memory_space<vmem>> -> memref<128xi32, #tpu.memory_space<vmem>>
    %dma_wait3A_50 = arith.constant 0 : i32
    %dma_wait3A_51 = arith.constant 0 : i32
    %dma_wait3A_52 = tpu.memref_slice %arg2[%dma_wait3A_50, %dma_wait3A_51] : memref<1024x64xf32, #tpu.memory_space<hbm>> -> memref<1024x64xf32, #tpu.memory_space<hbm>>
    tpu.wait_indirect_dma semaphore(%arg7 : memref<!tpu.dma_semaphore, #tpu.memory_space<semaphore_mem>>) src(%dma_wait3A_52 : memref<1024x64xf32, #tpu.memory_space<hbm>>) dst(%dma_wait3A_46 : memref<128x64xf32, #tpu.memory_space<vmem>>)
    %add3A_53 = arith.constant 0 : i32
    %add3A_54 = arith.addi %mul3A_2, %add3A_53 : i32
    %dma_start3A_55 = arith.constant 0 : i32
    %dma_start3A_56 = arith.constant 0 : i32
    %dma_start3A_57 = tpu.memref_slice %arg6[%dma_start3A_55, %dma_start3A_56] : memref<512x64xf32, #tpu.memory_space<vmem>> -> memref<128x64xf32, #tpu.memory_space<vmem>>
    %dma_start3A_58 = arith.constant 0 : i32
    %dma_start3A_59 = tpu.memref_slice %arg4[%add3A_54, %dma_start3A_58] : memref<16384x64xf32, #tpu.memory_space<hbm>> -> memref<128x64xf32, #tpu.memory_space<hbm>>
    %dma_start3A_60 = arith.constant 0 : i32
    %dma_start3A_61 = tpu.memref_slice %arg4[%add3A_54, %dma_start3A_60] : memref<16384x64xf32, #tpu.memory_space<hbm>> -> memref<128x64xf32, #tpu.memory_space<hbm>>
    %dma_start3A_62 = arith.constant 0 : i32
    %dma_start3A_63 = arith.constant 0 : i32
    %dma_start3A_64 = tpu.memref_slice %arg6[%dma_start3A_62, %dma_start3A_63] : memref<512x64xf32, #tpu.memory_space<vmem>> -> memref<128x64xf32, #tpu.memory_space<vmem>>
    tpu.enqueue_dma source(%dma_start3A_64 : memref<128x64xf32, #tpu.memory_space<vmem>>) target(%dma_start3A_61 : memref<128x64xf32, #tpu.memory_space<hbm>>) target_semaphore(%arg8 : memref<!tpu.dma_semaphore, #tpu.memory_space<semaphore_mem>>)
    %dma_wait3A_65 = arith.constant 1 : i32
    %dma_wait3A_66 = arith.constant 128 : i32
    %dma_wait3A_67 = arith.constant 0 : i32
    %dma_wait3A_68 = tpu.memref_slice %arg6[%dma_wait3A_66, %dma_wait3A_67] : memref<512x64xf32, #tpu.memory_space<vmem>> -> memref<128x64xf32, #tpu.memory_space<vmem>>
    %dma_wait3A_69 = arith.constant 0 : i32
    %dma_wait3A_70 = tpu.memref_slice %arg5[%dma_wait3A_65, %dma_wait3A_69] : memref<4x128xi32, #tpu.memory_space<vmem>> -> memref<1x128xi32, #tpu.memory_space<vmem>>
    %dma_wait3A_71 = tpu.memref_squeeze %dma_wait3A_70 : memref<1x128xi32, #tpu.memory_space<vmem>> -> memref<128xi32, #tpu.memory_space<vmem>>
    %dma_wait3A_72 = arith.constant 0 : i32
    %dma_wait3A_73 = arith.constant 0 : i32
    %dma_wait3A_74 = tpu.memref_slice %arg2[%dma_wait3A_72, %dma_wait3A_73] : memref<1024x64xf32, #tpu.memory_space<hbm>> -> memref<1024x64xf32, #tpu.memory_space<hbm>>
    tpu.wait_indirect_dma semaphore(%arg7 : memref<!tpu.dma_semaphore, #tpu.memory_space<semaphore_mem>>) src(%dma_wait3A_74 : memref<1024x64xf32, #tpu.memory_space<hbm>>) dst(%dma_wait3A_68 : memref<128x64xf32, #tpu.memory_space<vmem>>)
    %add3A_75 = arith.constant 128 : i32
    %add3A_76 = arith.addi %mul3A_2, %add3A_75 : i32
    %dma_start3A_77 = arith.constant 128 : i32
    %dma_start3A_78 = arith.constant 0 : i32
    %dma_start3A_79 = tpu.memref_slice %arg6[%dma_start3A_77, %dma_start3A_78] : memref<512x64xf32, #tpu.memory_space<vmem>> -> memref<128x64xf32, #tpu.memory_space<vmem>>
    %dma_start3A_80 = arith.constant 0 : i32
    %dma_start3A_81 = tpu.memref_slice %arg4[%add3A_76, %dma_start3A_80] : memref<16384x64xf32, #tpu.memory_space<hbm>> -> memref<128x64xf32, #tpu.memory_space<hbm>>
    %dma_start3A_82 = arith.constant 0 : i32
    %dma_start3A_83 = tpu.memref_slice %arg4[%add3A_76, %dma_start3A_82] : memref<16384x64xf32, #tpu.memory_space<hbm>> -> memref<128x64xf32, #tpu.memory_space<hbm>>
    %dma_start3A_84 = arith.constant 128 : i32
    %dma_start3A_85 = arith.constant 0 : i32
    %dma_start3A_86 = tpu.memref_slice %arg6[%dma_start3A_84, %dma_start3A_85] : memref<512x64xf32, #tpu.memory_space<vmem>> -> memref<128x64xf32, #tpu.memory_space<vmem>>
    tpu.enqueue_dma source(%dma_start3A_86 : memref<128x64xf32, #tpu.memory_space<vmem>>) target(%dma_start3A_83 : memref<128x64xf32, #tpu.memory_space<hbm>>) target_semaphore(%arg8 : memref<!tpu.dma_semaphore, #tpu.memory_space<semaphore_mem>>)
    %dma_wait3A_87 = arith.constant 2 : i32
    %dma_wait3A_88 = arith.constant 256 : i32
    %dma_wait3A_89 = arith.constant 0 : i32
    %dma_wait3A_90 = tpu.memref_slice %arg6[%dma_wait3A_88, %dma_wait3A_89] : memref<512x64xf32, #tpu.memory_space<vmem>> -> memref<128x64xf32, #tpu.memory_space<vmem>>
    %dma_wait3A_91 = arith.constant 0 : i32
    %dma_wait3A_92 = tpu.memref_slice %arg5[%dma_wait3A_87, %dma_wait3A_91] : memref<4x128xi32, #tpu.memory_space<vmem>> -> memref<1x128xi32, #tpu.memory_space<vmem>>
    %dma_wait3A_93 = tpu.memref_squeeze %dma_wait3A_92 : memref<1x128xi32, #tpu.memory_space<vmem>> -> memref<128xi32, #tpu.memory_space<vmem>>
    %dma_wait3A_94 = arith.constant 0 : i32
    %dma_wait3A_95 = arith.constant 0 : i32
    %dma_wait3A_96 = tpu.memref_slice %arg2[%dma_wait3A_94, %dma_wait3A_95] : memref<1024x64xf32, #tpu.memory_space<hbm>> -> memref<1024x64xf32, #tpu.memory_space<hbm>>
    tpu.wait_indirect_dma semaphore(%arg7 : memref<!tpu.dma_semaphore, #tpu.memory_space<semaphore_mem>>) src(%dma_wait3A_96 : memref<1024x64xf32, #tpu.memory_space<hbm>>) dst(%dma_wait3A_90 : memref<128x64xf32, #tpu.memory_space<vmem>>)
    %add3A_97 = arith.constant 256 : i32
    %add3A_98 = arith.addi %mul3A_2, %add3A_97 : i32
    %dma_start3A_99 = arith.constant 256 : i32
    %dma_start3A_100 = arith.constant 0 : i32
    %dma_start3A_101 = tpu.memref_slice %arg6[%dma_start3A_99, %dma_start3A_100] : memref<512x64xf32, #tpu.memory_space<vmem>> -> memref<128x64xf32, #tpu.memory_space<vmem>>
    %dma_start3A_102 = arith.constant 0 : i32
    %dma_start3A_103 = tpu.memref_slice %arg4[%add3A_98, %dma_start3A_102] : memref<16384x64xf32, #tpu.memory_space<hbm>> -> memref<128x64xf32, #tpu.memory_space<hbm>>
    %dma_start3A_104 = arith.constant 0 : i32
    %dma_start3A_105 = tpu.memref_slice %arg4[%add3A_98, %dma_start3A_104] : memref<16384x64xf32, #tpu.memory_space<hbm>> -> memref<128x64xf32, #tpu.memory_space<hbm>>
    %dma_start3A_106 = arith.constant 256 : i32
    %dma_start3A_107 = arith.constant 0 : i32
    %dma_start3A_108 = tpu.memref_slice %arg6[%dma_start3A_106, %dma_start3A_107] : memref<512x64xf32, #tpu.memory_space<vmem>> -> memref<128x64xf32, #tpu.memory_space<vmem>>
    tpu.enqueue_dma source(%dma_start3A_108 : memref<128x64xf32, #tpu.memory_space<vmem>>) target(%dma_start3A_105 : memref<128x64xf32, #tpu.memory_space<hbm>>) target_semaphore(%arg8 : memref<!tpu.dma_semaphore, #tpu.memory_space<semaphore_mem>>)
    %dma_wait3A_109 = arith.constant 3 : i32
    %dma_wait3A_110 = arith.constant 384 : i32
    %dma_wait3A_111 = arith.constant 0 : i32
    %dma_wait3A_112 = tpu.memref_slice %arg6[%dma_wait3A_110, %dma_wait3A_111] : memref<512x64xf32, #tpu.memory_space<vmem>> -> memref<128x64xf32, #tpu.memory_space<vmem>>
    %dma_wait3A_113 = arith.constant 0 : i32
    %dma_wait3A_114 = tpu.memref_slice %arg5[%dma_wait3A_109, %dma_wait3A_113] : memref<4x128xi32, #tpu.memory_space<vmem>> -> memref<1x128xi32, #tpu.memory_space<vmem>>
    %dma_wait3A_115 = tpu.memref_squeeze %dma_wait3A_114 : memref<1x128xi32, #tpu.memory_space<vmem>> -> memref<128xi32, #tpu.memory_space<vmem>>
    %dma_wait3A_116 = arith.constant 0 : i32
    %dma_wait3A_117 = arith.constant 0 : i32
    %dma_wait3A_118 = tpu.memref_slice %arg2[%dma_wait3A_116, %dma_wait3A_117] : memref<1024x64xf32, #tpu.memory_space<hbm>> -> memref<1024x64xf32, #tpu.memory_space<hbm>>
    tpu.wait_indirect_dma semaphore(%arg7 : memref<!tpu.dma_semaphore, #tpu.memory_space<semaphore_mem>>) src(%dma_wait3A_118 : memref<1024x64xf32, #tpu.memory_space<hbm>>) dst(%dma_wait3A_112 : memref<128x64xf32, #tpu.memory_space<vmem>>)
    %add3A_119 = arith.constant 384 : i32
    %add3A_120 = arith.addi %mul3A_2, %add3A_119 : i32
    %dma_start3A_121 = arith.constant 384 : i32
    %dma_start3A_122 = arith.constant 0 : i32
    %dma_start3A_123 = tpu.memref_slice %arg6[%dma_start3A_121, %dma_start3A_122] : memref<512x64xf32, #tpu.memory_space<vmem>> -> memref<128x64xf32, #tpu.memory_space<vmem>>
    %dma_start3A_124 = arith.constant 0 : i32
    %dma_start3A_125 = tpu.memref_slice %arg4[%add3A_120, %dma_start3A_124] : memref<16384x64xf32, #tpu.memory_space<hbm>> -> memref<128x64xf32, #tpu.memory_space<hbm>>
    %dma_start3A_126 = arith.constant 0 : i32
    %dma_start3A_127 = tpu.memref_slice %arg4[%add3A_120, %dma_start3A_126] : memref<16384x64xf32, #tpu.memory_space<hbm>> -> memref<128x64xf32, #tpu.memory_space<hbm>>
    %dma_start3A_128 = arith.constant 384 : i32
    %dma_start3A_129 = arith.constant 0 : i32
    %dma_start3A_130 = tpu.memref_slice %arg6[%dma_start3A_128, %dma_start3A_129] : memref<512x64xf32, #tpu.memory_space<vmem>> -> memref<128x64xf32, #tpu.memory_space<vmem>>
    tpu.enqueue_dma source(%dma_start3A_130 : memref<128x64xf32, #tpu.memory_space<vmem>>) target(%dma_start3A_127 : memref<128x64xf32, #tpu.memory_space<hbm>>) target_semaphore(%arg8 : memref<!tpu.dma_semaphore, #tpu.memory_space<semaphore_mem>>)
    %dma_wait3A_131 = arith.constant 0 : i32
    %dma_wait3A_132 = arith.constant 0 : i32
    %dma_wait3A_133 = tpu.memref_slice %arg6[%dma_wait3A_131, %dma_wait3A_132] : memref<512x64xf32, #tpu.memory_space<vmem>> -> memref<128x64xf32, #tpu.memory_space<vmem>>
    %dma_wait3A_134 = arith.constant 0 : i32
    %dma_wait3A_135 = tpu.memref_slice %arg4[%add3A_54, %dma_wait3A_134] : memref<16384x64xf32, #tpu.memory_space<hbm>> -> memref<128x64xf32, #tpu.memory_space<hbm>>
    %dma_wait3A_136 = arith.constant 0 : i32
    %dma_wait3A_137 = tpu.memref_slice %arg4[%add3A_54, %dma_wait3A_136] : memref<16384x64xf32, #tpu.memory_space<hbm>> -> memref<128x64xf32, #tpu.memory_space<hbm>>
    %dma_wait3A_138 = arith.constant 0 : i32
    %dma_wait3A_139 = arith.constant 0 : i32
    %dma_wait3A_140 = tpu.memref_slice %arg6[%dma_wait3A_138, %dma_wait3A_139] : memref<512x64xf32, #tpu.memory_space<vmem>> -> memref<128x64xf32, #tpu.memory_space<vmem>>
    tpu.wait_dma2 semaphore(%arg8 : memref<!tpu.dma_semaphore, #tpu.memory_space<semaphore_mem>>) src(%dma_wait3A_140 : memref<128x64xf32, #tpu.memory_space<vmem>>) dst(%dma_wait3A_137 : memref<128x64xf32, #tpu.memory_space<hbm>>)
    %dma_wait3A_141 = arith.constant 128 : i32
    %dma_wait3A_142 = arith.constant 0 : i32
    %dma_wait3A_143 = tpu.memref_slice %arg6[%dma_wait3A_141, %dma_wait3A_142] : memref<512x64xf32, #tpu.memory_space<vmem>> -> memref<128x64xf32, #tpu.memory_space<vmem>>
    %dma_wait3A_144 = arith.constant 0 : i32
    %dma_wait3A_145 = tpu.memref_slice %arg4[%add3A_76, %dma_wait3A_144] : memref<16384x64xf32, #tpu.memory_space<hbm>> -> memref<128x64xf32, #tpu.memory_space<hbm>>
    %dma_wait3A_146 = arith.constant 0 : i32
    %dma_wait3A_147 = tpu.memref_slice %arg4[%add3A_76, %dma_wait3A_146] : memref<16384x64xf32, #tpu.memory_space<hbm>> -> memref<128x64xf32, #tpu.memory_space<hbm>>
    %dma_wait3A_148 = arith.constant 128 : i32
    %dma_wait3A_149 = arith.constant 0 : i32
    %dma_wait3A_150 = tpu.memref_slice %arg6[%dma_wait3A_148, %dma_wait3A_149] : memref<512x64xf32, #tpu.memory_space<vmem>> -> memref<128x64xf32, #tpu.memory_space<vmem>>
    tpu.wait_dma2 semaphore(%arg8 : memref<!tpu.dma_semaphore, #tpu.memory_space<semaphore_mem>>) src(%dma_wait3A_150 : memref<128x64xf32, #tpu.memory_space<vmem>>) dst(%dma_wait3A_147 : memref<128x64xf32, #tpu.memory_space<hbm>>)
    %dma_wait3A_151 = arith.constant 256 : i32
    %dma_wait3A_152 = arith.constant 0 : i32
    %dma_wait3A_153 = tpu.memref_slice %arg6[%dma_wait3A_151, %dma_wait3A_152] : memref<512x64xf32, #tpu.memory_space<vmem>> -> memref<128x64xf32, #tpu.memory_space<vmem>>
    %dma_wait3A_154 = arith.constant 0 : i32
    %dma_wait3A_155 = tpu.memref_slice %arg4[%add3A_98, %dma_wait3A_154] : memref<16384x64xf32, #tpu.memory_space<hbm>> -> memref<128x64xf32, #tpu.memory_space<hbm>>
    %dma_wait3A_156 = arith.constant 0 : i32
    %dma_wait3A_157 = tpu.memref_slice %arg4[%add3A_98, %dma_wait3A_156] : memref<16384x64xf32, #tpu.memory_space<hbm>> -> memref<128x64xf32, #tpu.memory_space<hbm>>
    %dma_wait3A_158 = arith.constant 256 : i32
    %dma_wait3A_159 = arith.constant 0 : i32
    %dma_wait3A_160 = tpu.memref_slice %arg6[%dma_wait3A_158, %dma_wait3A_159] : memref<512x64xf32, #tpu.memory_space<vmem>> -> memref<128x64xf32, #tpu.memory_space<vmem>>
    tpu.wait_dma2 semaphore(%arg8 : memref<!tpu.dma_semaphore, #tpu.memory_space<semaphore_mem>>) src(%dma_wait3A_160 : memref<128x64xf32, #tpu.memory_space<vmem>>) dst(%dma_wait3A_157 : memref<128x64xf32, #tpu.memory_space<hbm>>)
    %dma_wait3A_161 = arith.constant 384 : i32
    %dma_wait3A_162 = arith.constant 0 : i32
    %dma_wait3A_163 = tpu.memref_slice %arg6[%dma_wait3A_161, %dma_wait3A_162] : memref<512x64xf32, #tpu.memory_space<vmem>> -> memref<128x64xf32, #tpu.memory_space<vmem>>
    %dma_wait3A_164 = arith.constant 0 : i32
    %dma_wait3A_165 = tpu.memref_slice %arg4[%add3A_120, %dma_wait3A_164] : memref<16384x64xf32, #tpu.memory_space<hbm>> -> memref<128x64xf32, #tpu.memory_space<hbm>>
    %dma_wait3A_166 = arith.constant 0 : i32
    %dma_wait3A_167 = tpu.memref_slice %arg4[%add3A_120, %dma_wait3A_166] : memref<16384x64xf32, #tpu.memory_space<hbm>> -> memref<128x64xf32, #tpu.memory_space<hbm>>
    %dma_wait3A_168 = arith.constant 384 : i32
    %dma_wait3A_169 = arith.constant 0 : i32
    %dma_wait3A_170 = tpu.memref_slice %arg6[%dma_wait3A_168, %dma_wait3A_169] : memref<512x64xf32, #tpu.memory_space<vmem>> -> memref<128x64xf32, #tpu.memory_space<vmem>>
    tpu.wait_dma2 semaphore(%arg8 : memref<!tpu.dma_semaphore, #tpu.memory_space<semaphore_mem>>) src(%dma_wait3A_170 : memref<128x64xf32, #tpu.memory_space<vmem>>) dst(%dma_wait3A_167 : memref<128x64xf32, #tpu.memory_space<hbm>>)
    return
  }
}

module attributes {stable_mosaic.version = 14 : i64} {
  func.func @_dist_argmin_body(%arg0: i32, %arg1: memref<1024x64xf32, #tpu.memory_space<vmem>>, %arg2: memref<1024x64xf32, #tpu.memory_space<vmem>>, %arg3: memref<1024x1xi32, #tpu.memory_space<vmem>>, %arg4: memref<1xf32, #tpu.memory_space<smem>>, %arg5: memref<1024x387xbf16, #tpu.memory_space<vmem>>, %arg6: memref<1024x1024xf32, #tpu.memory_space<vmem>>, %arg7: memref<1024x192xbf16, #tpu.memory_space<vmem>>) attributes {dimension_semantics = [#tpu.dimension_semantics<arbitrary>], iteration_bounds = array<i64: 16>, scalar_prefetch = 0 : i64, scratch_operands = 3 : i64, tpu.core_type = #tpu.core_type<tc>, window_params = [{transform_indices = @transform_0, window_bounds = array<i64: 1024, 64>}, {pipeline_mode = #tpu.pipeline_mode<synchronous>, transform_indices = @transform_1, window_bounds = array<i64: 1024, 64>}, {transform_indices = @transform_2, window_bounds = array<i64: 1024, 1>}, {transform_indices = @transform_3, window_bounds = array<i64: 1>}]} {
    %get3A = arith.constant 0 : index
    %get3A_0 = arith.constant 0 : index
    %get3A_1 = vector.load %arg1[%get3A, %get3A_0] : memref<1024x64xf32, #tpu.memory_space<vmem>>, vector<1024x64xf32>
    %eq3A = arith.constant 0 : i32
    %eq3A_2 = arith.cmpi eq, %arg0, %eq3A : i32
    %convert_element_type3A = arith.extui %eq3A_2 : i1 to i32
    %cond3A = arith.constant 0 : i32
    %cond3A_3 = arith.cmpi ne, %convert_element_type3A, %cond3A : i32
    scf.if %cond3A_3 {
      %get3A_64 = arith.constant 0 : index
      %get3A_65 = arith.constant 0 : index
      %get3A_66 = vector.load %arg2[%get3A_64, %get3A_65] : memref<1024x64xf32, #tpu.memory_space<vmem>>, vector<1024x64xf32>
      %mul3A_67 = arith.mulf %get3A_66, %get3A_66 : vector<1024x64xf32>
      %reduce_sum3A_68 = arith.constant dense<0.000000e+00> : vector<1024xf32>
      %reduce_sum3A_69 = vector.multi_reduction <add>, %mul3A_67, %reduce_sum3A_68 [1] : vector<1024x64xf32> to vector<1024xf32>
      %broadcast_in_dim3A_70 = vector.shape_cast %reduce_sum3A_69 : vector<1024xf32> to vector<1024x1xf32>
      %mul3A_71 = arith.constant -2.000000e+00 : f32
      %mul3A_72 = vector.broadcast %mul3A_71 : f32 to vector<1024x64xf32>
      %mul3A_73 = arith.mulf %mul3A_72, %get3A_66 : vector<1024x64xf32>
      %convert_element_type3A_74 = arith.truncf %mul3A_73 : vector<1024x64xf32> to vector<1024x64xbf16>
      %convert_element_type3A_75 = arith.extf %convert_element_type3A_74 : vector<1024x64xbf16> to vector<1024x64xf32>
      %sub3A_76 = arith.subf %mul3A_73, %convert_element_type3A_75 : vector<1024x64xf32>
      %convert_element_type3A_77 = arith.truncf %sub3A_76 : vector<1024x64xf32> to vector<1024x64xbf16>
      %convert_element_type3A_78 = arith.extf %convert_element_type3A_77 : vector<1024x64xbf16> to vector<1024x64xf32>
      %sub3A_79 = arith.subf %sub3A_76, %convert_element_type3A_78 : vector<1024x64xf32>
      %convert_element_type3A_80 = arith.truncf %sub3A_79 : vector<1024x64xf32> to vector<1024x64xbf16>
      %convert_element_type3A_81 = arith.truncf %broadcast_in_dim3A_70 : vector<1024x1xf32> to vector<1024x1xbf16>
      %convert_element_type3A_82 = arith.extf %convert_element_type3A_81 : vector<1024x1xbf16> to vector<1024x1xf32>
      %sub3A_83 = arith.subf %broadcast_in_dim3A_70, %convert_element_type3A_82 : vector<1024x1xf32>
      %convert_element_type3A_84 = arith.truncf %sub3A_83 : vector<1024x1xf32> to vector<1024x1xbf16>
      %convert_element_type3A_85 = arith.extf %convert_element_type3A_84 : vector<1024x1xbf16> to vector<1024x1xf32>
      %sub3A_86 = arith.subf %sub3A_83, %convert_element_type3A_85 : vector<1024x1xf32>
      %convert_element_type3A_87 = arith.truncf %sub3A_86 : vector<1024x1xf32> to vector<1024x1xbf16>
      %concatenate3A_88 = tpu.concatenate %convert_element_type3A_74, %convert_element_type3A_77, %convert_element_type3A_77, %convert_element_type3A_74, %convert_element_type3A_80, %convert_element_type3A_74, %convert_element_type3A_81, %convert_element_type3A_84, %convert_element_type3A_87 in 1 : vector<1024x64xbf16>, vector<1024x64xbf16>, vector<1024x64xbf16>, vector<1024x64xbf16>, vector<1024x64xbf16>, vector<1024x64xbf16>, vector<1024x1xbf16>, vector<1024x1xbf16>, vector<1024x1xbf16> -> vector<1024x387xbf16>
      %swap3A_89 = arith.constant 0 : index
      %swap3A_90 = arith.constant 0 : index
      %swap3A_91 = vector.load %arg5[%swap3A_89, %swap3A_90] : memref<1024x387xbf16, #tpu.memory_space<vmem>>, vector<1024x387xbf16>
      tpu.vector_store %arg5[%swap3A_89, %swap3A_90], %concatenate3A_88 {strides = array<i32>} : memref<1024x387xbf16, #tpu.memory_space<vmem>>, vector<1024x387xbf16>,
      %iota3A = tpu.iota {dimensions = array<i32: 1>} : vector<1024x1024xi32>
      %convert_element_type3A_92 = arith.sitofp %iota3A : vector<1024x1024xi32> to vector<1024x1024xf32>
      %swap3A_93 = arith.constant 0 : index
      %swap3A_94 = arith.constant 0 : index
      %swap3A_95 = vector.load %arg6[%swap3A_93, %swap3A_94] : memref<1024x1024xf32, #tpu.memory_space<vmem>>, vector<1024x1024xf32>
      tpu.vector_store %arg6[%swap3A_93, %swap3A_94], %convert_element_type3A_92 {strides = array<i32>} : memref<1024x1024xf32, #tpu.memory_space<vmem>>, vector<1024x1024xf32>,
      %convert_element_type3A_96 = arith.truncf %get3A_66 : vector<1024x64xf32> to vector<1024x64xbf16>
      %convert_element_type3A_97 = arith.extf %convert_element_type3A_96 : vector<1024x64xbf16> to vector<1024x64xf32>
      %sub3A_98 = arith.subf %get3A_66, %convert_element_type3A_97 : vector<1024x64xf32>
      %convert_element_type3A_99 = arith.truncf %sub3A_98 : vector<1024x64xf32> to vector<1024x64xbf16>
      %convert_element_type3A_100 = arith.extf %convert_element_type3A_99 : vector<1024x64xbf16> to vector<1024x64xf32>
      %sub3A_101 = arith.subf %sub3A_98, %convert_element_type3A_100 : vector<1024x64xf32>
      %convert_element_type3A_102 = arith.truncf %sub3A_101 : vector<1024x64xf32> to vector<1024x64xbf16>
      %concatenate3A_103 = tpu.concatenate %convert_element_type3A_96, %convert_element_type3A_99, %convert_element_type3A_102 in 1 : vector<1024x64xbf16>, vector<1024x64xbf16>, vector<1024x64xbf16> -> vector<1024x192xbf16>
      %swap3A_104 = arith.constant 0 : index
      %swap3A_105 = arith.constant 0 : index
      %swap3A_106 = vector.load %arg7[%swap3A_104, %swap3A_105] : memref<1024x192xbf16, #tpu.memory_space<vmem>>, vector<1024x192xbf16>
      tpu.vector_store %arg7[%swap3A_104, %swap3A_105], %concatenate3A_103 {strides = array<i32>} : memref<1024x192xbf16, #tpu.memory_space<vmem>>, vector<1024x192xbf16>,
    } else {
    }
    %convert_element_type3A_4 = arith.truncf %get3A_1 : vector<1024x64xf32> to vector<1024x64xbf16>
    %convert_element_type3A_5 = arith.extf %convert_element_type3A_4 : vector<1024x64xbf16> to vector<1024x64xf32>
    %sub3A = arith.subf %get3A_1, %convert_element_type3A_5 : vector<1024x64xf32>
    %convert_element_type3A_6 = arith.truncf %sub3A : vector<1024x64xf32> to vector<1024x64xbf16>
    %convert_element_type3A_7 = arith.extf %convert_element_type3A_6 : vector<1024x64xbf16> to vector<1024x64xf32>
    %sub3A_8 = arith.subf %sub3A, %convert_element_type3A_7 : vector<1024x64xf32>
    %convert_element_type3A_9 = arith.truncf %sub3A_8 : vector<1024x64xf32> to vector<1024x64xbf16>
    %broadcast_in_dim3A = arith.constant 1.000000e+00 : bf16
    %broadcast_in_dim3A_10 = vector.broadcast %broadcast_in_dim3A : bf16 to vector<1024x3xbf16>
    %concatenate3A = tpu.concatenate %convert_element_type3A_4, %convert_element_type3A_6, %convert_element_type3A_4, %convert_element_type3A_6, %convert_element_type3A_4, %convert_element_type3A_9, %broadcast_in_dim3A_10 in 1 : vector<1024x64xbf16>, vector<1024x64xbf16>, vector<1024x64xbf16>, vector<1024x64xbf16>, vector<1024x64xbf16>, vector<1024x64xbf16>, vector<1024x3xbf16> -> vector<1024x387xbf16>
    %get3A_11 = arith.constant 0 : index
    %get3A_12 = arith.constant 0 : index
    %get3A_13 = vector.load %arg5[%get3A_11, %get3A_12] : memref<1024x387xbf16, #tpu.memory_space<vmem>>, vector<1024x387xbf16>
    %dot_general3A = arith.constant dense<0.000000e+00> : vector<1024x1024xf32>
    %dot_general3A_14 = tpu.matmul %concatenate3A, %get3A_13, %dot_general3A {dimension_numbers = #tpu.dot_dimension_numbers<[1], [1], [0], [0], [0, 0, 1, 0], [], []>, transpose_lhs_hint = false} : vector<1024x387xbf16>, vector<1024x387xbf16>, vector<1024x1024xf32> -> vector<1024x1024xf32>
    %reduce_min3A = arith.constant dense<0x7F800000> : vector<1024xf32>
    %reduce_min3A_15 = vector.multi_reduction <minimumf>, %dot_general3A_14, %reduce_min3A [1] : vector<1024x1024xf32> to vector<1024xf32>
    %broadcast_in_dim3A_16 = vector.shape_cast %reduce_min3A_15 : vector<1024xf32> to vector<1024x1xf32>
    %get3A_17 = arith.constant 0 : index
    %get3A_18 = arith.constant 0 : index
    %get3A_19 = vector.load %arg6[%get3A_17, %get3A_18] : memref<1024x1024xf32, #tpu.memory_space<vmem>>, vector<1024x1024xf32>
    %eq3A_20 = vector.broadcast %broadcast_in_dim3A_16 : vector<1024x1xf32> to vector<1024x1024xf32>
    %eq3A_21 = arith.cmpf oeq, %dot_general3A_14, %eq3A_20 : vector<1024x1024xf32>
    %jit3A = arith.constant 1.024000e+03 : f32
    %broadcast_in_dim3A_22 = vector.broadcast %jit3A : f32 to vector<1024x1024xf32>
    %select_n3A = arith.select %eq3A_21, %get3A_19, %broadcast_in_dim3A_22 : vector<1024x1024xi1>, vector<1024x1024xf32>
    %reduce_min3A_23 = arith.constant dense<0x7F800000> : vector<1024xf32>
    %reduce_min3A_24 = vector.multi_reduction <minimumf>, %select_n3A, %reduce_min3A_23 [1] : vector<1024x1024xf32> to vector<1024xf32>
    %broadcast_in_dim3A_25 = vector.shape_cast %reduce_min3A_24 : vector<1024xf32> to vector<1024x1xf32>
    %convert_element_type3A_26 = arith.fptosi %broadcast_in_dim3A_25 : vector<1024x1xf32> to vector<1024x1xi32>
    %swap3A = arith.constant 0 : index
    %swap3A_27 = arith.constant 0 : index
    %swap3A_28 = vector.load %arg3[%swap3A, %swap3A_27] : memref<1024x1xi32, #tpu.memory_space<vmem>>, vector<1024x1xi32>
    tpu.vector_store %arg3[%swap3A, %swap3A_27], %convert_element_type3A_26 {strides = array<i32>} : memref<1024x1xi32, #tpu.memory_space<vmem>>, vector<1024x1xi32>,
    %eq3A_29 = vector.broadcast %broadcast_in_dim3A_25 : vector<1024x1xf32> to vector<1024x1024xf32>
    %eq3A_30 = arith.cmpf oeq, %get3A_19, %eq3A_29 : vector<1024x1024xf32>
    %mul3A = arith.mulf %get3A_1, %get3A_1 : vector<1024x64xf32>
    %reduce_sum3A = arith.constant dense<0.000000e+00> : vector<1024xf32>
    %reduce_sum3A_31 = vector.multi_reduction <add>, %mul3A, %reduce_sum3A [1] : vector<1024x64xf32> to vector<1024xf32>
    %broadcast_in_dim3A_32 = vector.shape_cast %reduce_sum3A_31 : vector<1024xf32> to vector<1024x1xf32>
    %add3A = arith.addf %broadcast_in_dim3A_16, %broadcast_in_dim3A_32 : vector<1024x1xf32>
    %reduce_sum3A_33 = vector.shape_cast %add3A : vector<1024x1xf32> to vector<1x1024x1xf32>
    %reduce_sum3A_34 = arith.constant dense<0.000000e+00> : vector<1xf32>
    %reduce_sum3A_35 = vector.multi_reduction <add>, %reduce_sum3A_33, %reduce_sum3A_34 [1, 2] : vector<1x1024x1xf32> to vector<1xf32>
    %reduce_sum3A_36 = vector.shape_cast %reduce_sum3A_35 : vector<1xf32> to vector<1x1x1xf32>
    %reduce_sum3A_37 = vector.extract %reduce_sum3A_36[0, 0, 0] : f32 from vector<1x1x1xf32>
    %jit3A_38 = arith.constant 3.000000e+38 : f32
    %broadcast_in_dim3A_39 = vector.broadcast %jit3A_38 : f32 to vector<1024x1024xf32>
    %select_n3A_40 = arith.select %eq3A_30, %broadcast_in_dim3A_39, %dot_general3A_14 : vector<1024x1024xi1>, vector<1024x1024xf32>
    %reduce_min3A_41 = arith.constant dense<0x7F800000> : vector<1024xf32>
    %reduce_min3A_42 = vector.multi_reduction <minimumf>, %select_n3A_40, %reduce_min3A_41 [1] : vector<1024x1024xf32> to vector<1024xf32>
    %broadcast_in_dim3A_43 = vector.shape_cast %reduce_min3A_42 : vector<1024xf32> to vector<1024x1xf32>
    %sub3A_44 = arith.subf %broadcast_in_dim3A_43, %broadcast_in_dim3A_16 : vector<1024x1xf32>
    %reduce_min3A_45 = vector.shape_cast %sub3A_44 : vector<1024x1xf32> to vector<1x1024x1xf32>
    %reduce_min3A_46 = arith.constant dense<0x7F800000> : vector<1xf32>
    %reduce_min3A_47 = vector.multi_reduction <minimumf>, %reduce_min3A_45, %reduce_min3A_46 [1, 2] : vector<1x1024x1xf32> to vector<1xf32>
    %reduce_min3A_48 = vector.shape_cast %reduce_min3A_47 : vector<1xf32> to vector<1x1x1xf32>
    %reduce_min3A_49 = vector.extract %reduce_min3A_48[0, 0, 0] : f32 from vector<1x1x1xf32>
    %lt3A = arith.constant 2.000000e-04 : f32
    %lt3A_50 = arith.cmpf olt, %reduce_min3A_49, %lt3A : f32
    %convert_element_type3A_51 = arith.extui %lt3A_50 : i1 to i32
    %cond3A_52 = arith.constant 0 : i32
    %cond3A_53 = arith.cmpi ne, %convert_element_type3A_51, %cond3A_52 : i32
    scf.if %cond3A_53 {
      %eq3A_64 = vector.broadcast %broadcast_in_dim3A_43 : vector<1024x1xf32> to vector<1024x1024xf32>
      %eq3A_65 = arith.cmpf oeq, %select_n3A_40, %eq3A_64 : vector<1024x1024xf32>
      %jit3A_66 = arith.constant 1.024000e+03 : f32
      %broadcast_in_dim3A_67 = vector.broadcast %jit3A_66 : f32 to vector<1024x1024xf32>
      %select_n3A_68 = arith.select %eq3A_65, %get3A_19, %broadcast_in_dim3A_67 : vector<1024x1024xi1>, vector<1024x1024xf32>
      %reduce_min3A_69 = arith.constant dense<0x7F800000> : vector<1024xf32>
      %reduce_min3A_70 = vector.multi_reduction <minimumf>, %select_n3A_68, %reduce_min3A_69 [1] : vector<1024x1024xf32> to vector<1024xf32>
      %broadcast_in_dim3A_71 = vector.shape_cast %reduce_min3A_70 : vector<1024xf32> to vector<1024x1xf32>
      %convert_element_type3A_72 = arith.extui %eq3A_30 : vector<1024x1024xi1> to vector<1024x1024xi32>
      %convert_element_type3A_73 = arith.sitofp %convert_element_type3A_72 : vector<1024x1024xi32> to vector<1024x1024xf32>
      %convert_element_type3A_74 = arith.truncf %convert_element_type3A_73 : vector<1024x1024xf32> to vector<1024x1024xbf16>
      %get3A_75 = arith.constant 0 : index
      %get3A_76 = arith.constant 0 : index
      %get3A_77 = vector.load %arg7[%get3A_75, %get3A_76] : memref<1024x192xbf16, #tpu.memory_space<vmem>>, vector<1024x192xbf16>
      %dot_general3A_78 = arith.constant dense<0.000000e+00> : vector<1024x192xf32>
      %dot_general3A_79 = tpu.matmul %convert_element_type3A_74, %get3A_77, %dot_general3A_78 {dimension_numbers = #tpu.dot_dimension_numbers<[1], [0], [0], [1], [0, 0, 1, 1], [], []>, transpose_lhs_hint = false} : vector<1024x1024xbf16>, vector<1024x192xbf16>, vector<1024x192xf32> -> vector<1024x192xf32>
      %slice3A = vector.extract_strided_slice %dot_general3A_79 {offsets = [0, 0], sizes = [1024, 64], strides = [1, 1]} : vector<1024x192xf32> to vector<1024x64xf32>
      %slice3A_80 = vector.extract_strided_slice %dot_general3A_79 {offsets = [0, 64], sizes = [1024, 64], strides = [1, 1]} : vector<1024x192xf32> to vector<1024x64xf32>
      %add3A_81 = arith.addf %slice3A, %slice3A_80 : vector<1024x64xf32>
      %slice3A_82 = vector.extract_strided_slice %dot_general3A_79 {offsets = [0, 128], sizes = [1024, 64], strides = [1, 1]} : vector<1024x192xf32> to vector<1024x64xf32>
      %add3A_83 = arith.addf %add3A_81, %slice3A_82 : vector<1024x64xf32>
      %eq3A_84 = vector.broadcast %broadcast_in_dim3A_71 : vector<1024x1xf32> to vector<1024x1024xf32>
      %eq3A_85 = arith.cmpf oeq, %get3A_19, %eq3A_84 : vector<1024x1024xf32>
      %convert_element_type3A_86 = arith.extui %eq3A_85 : vector<1024x1024xi1> to vector<1024x1024xi32>
      %convert_element_type3A_87 = arith.sitofp %convert_element_type3A_86 : vector<1024x1024xi32> to vector<1024x1024xf32>
      %convert_element_type3A_88 = arith.truncf %convert_element_type3A_87 : vector<1024x1024xf32> to vector<1024x1024xbf16>
      %get3A_89 = arith.constant 0 : index
      %get3A_90 = arith.constant 0 : index
      %get3A_91 = vector.load %arg7[%get3A_89, %get3A_90] : memref<1024x192xbf16, #tpu.memory_space<vmem>>, vector<1024x192xbf16>
      %dot_general3A_92 = arith.constant dense<0.000000e+00> : vector<1024x192xf32>
      %dot_general3A_93 = tpu.matmul %convert_element_type3A_88, %get3A_91, %dot_general3A_92 {dimension_numbers = #tpu.dot_dimension_numbers<[1], [0], [0], [1], [0, 0, 1, 1], [], []>, transpose_lhs_hint = false} : vector<1024x1024xbf16>, vector<1024x192xbf16>, vector<1024x192xf32> -> vector<1024x192xf32>
      %slice3A_94 = vector.extract_strided_slice %dot_general3A_93 {offsets = [0, 0], sizes = [1024, 64], strides = [1, 1]} : vector<1024x192xf32> to vector<1024x64xf32>
      %slice3A_95 = vector.extract_strided_slice %dot_general3A_93 {offsets = [0, 64], sizes = [1024, 64], strides = [1, 1]} : vector<1024x192xf32> to vector<1024x64xf32>
      %add3A_96 = arith.addf %slice3A_94, %slice3A_95 : vector<1024x64xf32>
      %slice3A_97 = vector.extract_strided_slice %dot_general3A_93 {offsets = [0, 128], sizes = [1024, 64], strides = [1, 1]} : vector<1024x192xf32> to vector<1024x64xf32>
      %add3A_98 = arith.addf %add3A_96, %slice3A_97 : vector<1024x64xf32>
      %sub3A_99 = arith.subf %get3A_1, %add3A_83 : vector<1024x64xf32>
      %integer_pow3A = arith.mulf %sub3A_99, %sub3A_99 : vector<1024x64xf32>
      %reduce_sum3A_100 = arith.constant dense<0.000000e+00> : vector<1024xf32>
      %reduce_sum3A_101 = vector.multi_reduction <add>, %integer_pow3A, %reduce_sum3A_100 [1] : vector<1024x64xf32> to vector<1024xf32>
      %broadcast_in_dim3A_102 = vector.shape_cast %reduce_sum3A_101 : vector<1024xf32> to vector<1024x1xf32>
      %sqrt3A = math.sqrt %broadcast_in_dim3A_102 : vector<1024x1xf32>
      %sub3A_103 = arith.subf %get3A_1, %add3A_98 : vector<1024x64xf32>
      %integer_pow3A_104 = arith.mulf %sub3A_103, %sub3A_103 : vector<1024x64xf32>
      %reduce_sum3A_105 = arith.constant dense<0.000000e+00> : vector<1024xf32>
      %reduce_sum3A_106 = vector.multi_reduction <add>, %integer_pow3A_104, %reduce_sum3A_105 [1] : vector<1024x64xf32> to vector<1024xf32>
      %broadcast_in_dim3A_107 = vector.shape_cast %reduce_sum3A_106 : vector<1024xf32> to vector<1024x1xf32>
      %sqrt3A_108 = math.sqrt %broadcast_in_dim3A_107 : vector<1024x1xf32>
      %lt3A_109 = arith.cmpf olt, %sqrt3A_108, %sqrt3A : vector<1024x1xf32>
      %eq3A_110 = arith.cmpf oeq, %sqrt3A_108, %sqrt3A : vector<1024x1xf32>
      %lt3A_111 = arith.cmpf olt, %broadcast_in_dim3A_71, %broadcast_in_dim3A_25 : vector<1024x1xf32>
      %and3A = arith.andi %eq3A_110, %lt3A_111 : vector<1024x1xi1>
      %or3A = arith.ori %lt3A_109, %and3A : vector<1024x1xi1>
      %select_n3A_112 = arith.select %or3A, %broadcast_in_dim3A_71, %broadcast_in_dim3A_25 : vector<1024x1xi1>, vector<1024x1xf32>
      %convert_element_type3A_113 = arith.fptosi %select_n3A_112 : vector<1024x1xf32> to vector<1024x1xi32>
      %swap3A_114 = arith.constant 0 : index
      %swap3A_115 = arith.constant 0 : index
      %swap3A_116 = vector.load %arg3[%swap3A_114, %swap3A_115] : memref<1024x1xi32, #tpu.memory_space<vmem>>, vector<1024x1xi32>
      tpu.vector_store %arg3[%swap3A_114, %swap3A_115], %convert_element_type3A_113 {strides = array<i32>} : memref<1024x1xi32, #tpu.memory_space<vmem>>, vector<1024x1xi32>,
    } else {
    }
    %eq3A_54 = arith.constant 0 : i32
    %eq3A_55 = arith.cmpi eq, %arg0, %eq3A_54 : i32
    %convert_element_type3A_56 = arith.extui %eq3A_55 : i1 to i32
    %cond3A_57 = arith.constant 0 : i32
    %cond3A_58 = arith.cmpi ne, %convert_element_type3A_56, %cond3A_57 : i32
    scf.if %cond3A_58 {
      %swap3A_64 = arith.constant 0.000000e+00 : f32
      %swap3A_65 = arith.constant 0 : index
      %swap3A_66 = memref.load %arg4[%swap3A_65] : memref<1xf32, #tpu.memory_space<smem>>
      memref.store %swap3A_64, %arg4[%swap3A_65] : memref<1xf32, #tpu.memory_space<smem>>
    } else {
    }
    %get3A_59 = arith.constant 0 : index
    %get3A_60 = memref.load %arg4[%get3A_59] : memref<1xf32, #tpu.memory_space<smem>>
    %add3A_61 = arith.addf %get3A_60, %reduce_sum3A_37 : f32
    %swap3A_62 = arith.constant 0 : index
    %swap3A_63 = memref.load %arg4[%swap3A_62] : memref<1xf32, #tpu.memory_space<smem>>
    memref.store %add3A_61, %arg4[%swap3A_62] : memref<1xf32, #tpu.memory_space<smem>>
    return
  }
  func.func @transform_0(%arg0: i32) -> (i32, i32) {
    %c0_i32 = arith.constant 0 : i32
    %c0_i32_0 = arith.constant 0 : i32
    return %arg0, %c0_i32 : i32, i32
  }
  func.func @transform_1(%arg0: i32) -> (i32, i32) {
    %c0_i32 = arith.constant 0 : i32
    %c0_i32_0 = arith.constant 0 : i32
    %c0_i32_1 = arith.constant 0 : i32
    return %c0_i32, %c0_i32_0 : i32, i32
  }
  func.func @transform_2(%arg0: i32) -> (i32, i32) {
    %c0_i32 = arith.constant 0 : i32
    %c0_i32_0 = arith.constant 0 : i32
    return %arg0, %c0_i32 : i32, i32
  }
  func.func @transform_3(%arg0: i32) -> i32 {
    %c0_i32 = arith.constant 0 : i32
    %c0_i32_0 = arith.constant 0 : i32
    return %c0_i32 : i32
  }
}

</mosaic_0001>

<sc_bundles>
// kernel: kernel.4.cloned.1.call-start
scs
__scs_entry_jumppad:
0x0: {  	(pc) =	sbr.rel $0x88, $3  }
0x1: {  	(tag) =	ssettag $0x0;
	lr =	simm.s32 $0x1  }
0x2: {  	[smem:$0x3F9F] =	sst lr;
	_ =	strace $0xD0000000  }
0x3: {  	_ = 	snop  }
0x4: {  	_ = 	snop  }
0x5: {  	_ = 	snop  }
0x6: {  	_ = 	snop  }
0x7: {  	_ = 	snop  }
__scs_overlays_trampoline_lowered:
0x8: {  	[smem:$0x3FAE] =	sst s0  }
0x9: {  	[smem:$0x3FAF] =	sst s1  }
0xa: {  	[smem:$0x3FB0] =	sst s2  }
0xb: {  	[smem:$0x3FB1] =	sst s3  }
0xc: {  	[smem:$0x3FB2] =	sst s4  }
0xd: {  	[smem:$0x3FB3] =	sst s5  }
0xe: {  	[smem:$0x3FB4] =	sst s6  }
0xf: {  	[smem:$0x3FB5] =	sst s7  }
0x10: {  	[smem:$0x3FB6] =	sst s8  }
0x11: {  	[smem:$0x3FB7] =	sst s9;
	s0 =	simm.s32 @!p0 $0x0  }
0x12: {  	s1 =	sld [smem:$0x3F9D];
	s0 =	simm.s32 @p0 $0x1  }
0x13: {  	[smem:$0x3FB8] =	sst s0;
	s0 =	simm.s32 @!p1 $0x0  }
0x14: {  	s2 =	sld [smem:$0x3F9C];
	s0 =	simm.s32 @p1 $0x1  }
0x15: {  	[smem:$0x3FB9] =	sst s0;
	s0 =	simm.s32 @!p2 $0x0  }
0x16: {  	s3 =	sld [smem:$0x3FDB];
	s0 =	simm.s32 @p2 $0x1  }
0x17: {  	s4 =	simm.s32 $0x1BF5;
	[smem:$0x3FBB] =	sst s0  }
0x18: {  	s0 =	sld [smem:$0x3F9E];
	_ =	swait.ge [sflag:s4], $0x0  }
0x19: {  	s7 =	sld [smem:$0x3F9F]  }
0x1a: {  	s8 =	sadd.s32 $0xFFFFE003, lr  }
0x1b: {  	s9 =	sadd.s32 $0xFFFFFEF7, lr;
	s5 =	simm.s32 $0xFFFFFFFF;
	p2 =	slt.u32 s8, $0xFFFFF086  }
0x1c: {  	p1 =	slt.u32 s9, $0xF7A;
	s5 =	simm.s32 @!p2 $0x0  }
0x1d: {  	s5 =	simm.s32 @p1 $0x1;
	p0 =	seq.s32 s7, s2  }
0x1e: {  	s7 =	smul.u32 @!p0 $0xF7A, s2;
	p2 =	seq.s32 @!p0 s5, $0x0  }
0x1f: {  	s9 =	smul.u32 $0xF7A, s1;
	s8 =	simm.s32 @!p0 $0x1BF5;
	p2 =	por !p2, p0  }
0x20: {  	[sflag:s8] =	ssyncset.s32 @!p0 $0xFFFFF086;
	s6 =	sadd.s32 @!p0 s3, s7;
	s7 =	simm.s32 @!p0 $0x108  }
0x21: {  	s3 =	sadd.s32 s3, s9;
	s6 =	sadd.s32 @!p0 $0x88, s6;
	s7 =	simm.s32 @p2 $0x1082  }
0x22: {  	[simem:s7], [sflag:s8] =	dma.local @!p0 [hbm:s6], $0xF7A  }
0x23: {  	s9 =	sor.u32 $0xD0000000, s2;
	s6 =	simm.s32 $0x108;
	_ =	swait.ge @!p0 [sflag:s8], $0x0  }
0x24: {  	s3 =	sadd.s32 $0x88, s3;
	s6 =	simm.s32 @!p1 $0x1082;
	[sflag:s4] =	ssyncset.s32 $0xFFFFF086  }
0x25: {  	[simem:s6], [sflag:s4] =	dma.local [hbm:s3], $0xF7A  }
0x26: {  	[smem:$0x3F9F] =	sst s1;
	(tag) =	ssettag s2;
	_ =	strace s9  }
0x27: {  	s1 =	sld [smem:$0x3FAF]  }
0x28: {  	s2 =	sld [smem:$0x3FB0]  }
0x29: {  	s4 =	sld [smem:$0x3FB2]  }
0x2a: {  	p0 =	seq.s32 s5, $0x0;
	s5 =	sld [smem:$0x3FB3]  }
0x2b: {  	s6 =	sld [smem:$0x3FB4]  }
0x2c: {  	s7 =	sld [smem:$0x3FB5]  }
0x2d: {  	s3 =	simm.s32 $0x108;
	s8 =	sld [smem:$0x3FB6]  }
0x2e: {  	s3 =	simm.s32 @!p0 $0x1082;
	s9 =	sld [smem:$0x3FB7]  }
0x2f: {  	lr =	sadd.s32 s0, s3;
	s0 =	sld [smem:$0x3FAE]  }
0x30: {  	s3 =	sld [smem:$0x3FB1]  }
0x31: {  	[smem:$0x3FBA] =	sst s10  }
0x32: {  	s10 =	sld [smem:$0x3FB8];
	_ =	sdelay $0x3  }
0x33: {  	p0 =	seq.s32 s10, $0x1;
	s10 =	sld [smem:$0x3FBA];
	_ =	sdelay $0x3  }
0x34: {  	[smem:$0x3FBA] =	sst s10  }
0x35: {  	s10 =	sld [smem:$0x3FB9];
	_ =	sdelay $0x3  }
0x36: {  	p1 =	seq.s32 s10, $0x1;
	s10 =	sld [smem:$0x3FBA];
	_ =	sdelay $0x3  }
0x37: {  	[smem:$0x3FBA] =	sst s10  }
0x38: {  	s10 =	sld [smem:$0x3FBB]  }
0x39: {  	_ = 	snop;
	(pc) =	sbr.ind lr, $3  }
0x3a: {  	_ = 	snop  }
0x3b: {  	_ = 	snop  }
0x3c: {  	p2 =	seq.s32 s10, $0x1;
	s10 =	sld [smem:$0x3FBA]  }
0x3d: {  	_ =	shalt  }
0x3e: {  	_ =	shalt  }
0x3f: {  	_ =	shalt  }
0x40: {  	_ =	shalt  }
0x41: {  	_ =	shalt  }
0x42: {  	_ =	shalt  }
0x43: {  	_ =	shalt  }
0x44: {  	_ =	shalt  }
0x45: {  	_ =	shalt  }
0x46: {  	_ =	shalt  }
0x47: {  	_ =	shalt  }
0x48: {  	_ =	shalt  }
0x49: {  	_ =	shalt  }
0x4a: {  	_ =	shalt  }
0x4b: {  	_ =	shalt  }
0x4c: {  	_ =	shalt  }
0x4d: {  	_ =	shalt  }
0x4e: {  	_ =	shalt  }
0x4f: {  	_ =	shalt  }
0x50: {  	_ =	shalt  }
0x51: {  	_ =	shalt  }
0x52: {  	_ =	shalt  }
0x53: {  	_ =	shalt  }
0x54: {  	_ =	shalt  }
0x55: {  	_ =	shalt  }
0x56: {  	_ =	shalt  }
0x57: {  	_ =	shalt  }
0x58: {  	_ =	shalt  }
0x59: {  	_ =	shalt  }
0x5a: {  	_ =	shalt  }
0x5b: {  	_ =	shalt  }
0x5c: {  	_ =	shalt  }
0x5d: {  	_ =	shalt  }
0x5e: {  	_ =	shalt  }
0x5f: {  	_ =	shalt  }
0x60: {  	_ =	shalt  }
0x61: {  	_ =	shalt  }
0x62: {  	_ =	shalt  }
0x63: {  	_ =	shalt  }
0x64: {  	_ =	shalt  }
0x65: {  	_ =	shalt  }
0x66: {  	_ =	shalt  }
0x67: {  	_ =	shalt  }
0x68: {  	_ =	shalt  }
0x69: {  	_ =	shalt  }
0x6a: {  	_ =	shalt  }
0x6b: {  	_ =	shalt  }
0x6c: {  	_ =	shalt  }
0x6d: {  	_ =	shalt  }
0x6e: {  	_ =	shalt  }
0x6f: {  	_ =	shalt  }
0x70: {  	_ =	shalt  }
0x71: {  	_ =	shalt  }
0x72: {  	_ =	shalt  }
0x73: {  	_ =	shalt  }
0x74: {  	_ =	shalt  }
0x75: {  	_ =	shalt  }
0x76: {  	_ =	shalt  }
0x77: {  	_ =	shalt  }
0x78: {  	_ =	shalt  }
0x79: {  	_ =	shalt  }
0x7a: {  	_ =	shalt  }
0x7b: {  	_ =	shalt  }
0x7c: {  	_ =	shalt  }
0x7d: {  	_ =	shalt  }
0x7e: {  	_ =	shalt  }
0x7f: {  	_ =	shalt  }
0x80: {  	_ =	shalt  }
0x81: {  	_ =	shalt  }
0x82: {  	_ =	shalt  }
0x83: {  	_ =	shalt  }
0x84: {  	_ =	shalt  }
0x85: {  	_ =	shalt  }
0x86: {  	_ =	shalt  }
0x87: {  	_ =	shalt  }
.Lfunc_end0:
.L_simem_size_0:
called_computation_lowered:
.L_overlay_start_0:
0x88: {  	s2 =	sld [smem:$0x3FD9]  }
0x89: {  	s3 =	sld [smem:$0x3FFE];
	_ =	sdelay $0x1  }
0x8a: {  	s1 =	srdreg.scid  }
0x8b: {  	s0 =	sand.u32 $0x1, s1  }
0x8c: {  	s14 =	sshll.u32 s0, $0xA;
	s2 =	sadd.s32 s3, s2  }
0x8d: {  	s2 =	sadd.s32 s2, s14  }
0x8e: {  	[smem:$0x3FC6] =	sst s2  }
0x8f: {  	_ = 	snop  }
0x90: {  	s2 =	sld [smem:$0x3FD0];
	_ =	sdelay $0x2  }
0x91: {  	s15 =	simm.s32 $0xA;
	s4 =	simm.s32 $0x10  }
0x92: {  	[smem:s4], [sflag:s15] =	dma.local [hbm:s2], $0x1  }
0x93: {  	_ =	swait.eq [sflag:s15], $0x1  }
0x94: {  	[sflag:s15] =	ssyncset.done $0x0  }
0x95: {  	s16 =	sld [smem:$0x10];
	[sflag:s15] =	ssyncadd.s32 $0xFFFFFFFF  }
0x96: {  	s17 =	sld [smem:$0x13];
	(tm) =	ssettm $0x1  }
0x97: {  	s18 =	sld [smem:$0x3FFB];
	_ =	sdelay $0x3  }
0x98: {  	_ =	strace s18  }
0x99: {  	s4 =	sld [smem:$0x3FFC];
	_ =	sdelay $0x3  }
0x9a: {  	_ =	strace s4  }
0x9b: {  	s4 =	sld [smem:$0x3FFD];
	_ =	sdelay $0x3  }
0x9c: {  	_ =	strace s4  }
0x9d: {  	_ =	strace $0x8FFFFFFF  }
0x9e: {  	s19 =	sld [smem:$0x3FDB];
	_ =	sdelay $0x1  }
0x9f: {  	s5 =	simm.s32 $_scs_section_size  }
0xa0: {  	s6 =	simm.s32 $_size__tile_overlayer_lowered;
	s7 =	simm.s32 $_tile_overlayer_lowered  }
0xa1: {  	s22 =	simm.s32 $0x1BFF;
	s21 =	sshll.u32 s7, $0x1;
	s4 =	sadd.s32 s5, s19  }
0xa2: {  	s8 =	simm.s32 $0x0;
	s20 =	sshll.u32 s6, $0x1;
	s6 =	sadd.s32 s21, s4  }
0xa3: {  	[timem:s8], [sflag:s22] =	dma.local [hbm:s6], s20  }
0xa4: {  	_ =	swait.ge [sflag:s22], s20  }
0xa5: {  	s5 =	ssub.s32 $0x0, s20;
	[sflag:s22] =	ssyncset.done $0x0  }
0xa6: {  	[sflag:s22] =	ssyncadd.s32 s5;
	_ =	sdelay $0x1  }
0xa7: {  	s23 =	simm.s32 $0x1B8B  }
0xa8: {  	_ =	swait.ge [sflag:s23], $0x1  }
0xa9: {  	[sflag:s23] =	ssyncset.done $0x0  }
0xaa: {  	s25 =	simm.s32 $0x1B8E;
	s24 =	sld [smem:$0x3FFE];
	[sflag:s23] =	ssyncadd.s32 $0xFFFFFFFF  }
0xab: {  	s26 =	simm.s32 $execute0_lowered;
	[smem:$0x3FD2] =	sst s25  }
0xac: {  	s6 =	sshll.u32 s26, $0x1;
	_ =	strace $0x80000046;
	[dreg:$0x1] =	wrdreg $0xFFFFFFFF  }
0xad: {  	s28 =	simm.s32 $_size_execute0_lowered;
	s4 =	sadd.s32 s4, s6;
	[dreg:$0x0] =	wrdreg $0x0  }
0xae: {  	s6 =	sshll.u32 s28, $0x1;
	[dreg:$0x2] =	wrdreg s4  }
0xaf: {  	[dreg:$0x3] =	wrdreg s6  }
0xb0: {  	[dreg:$0x4] =	wrdreg $0xC0  }
0xb1: {  	_ =	task [dreg:s8], $0x5FFFF  }
0xb2: {  	[dreg:$0x1] =	wrdreg $0xFFFFFFFF  }
0xb3: {  	[dreg:$0x0] =	wrdreg $0x60  }
0xb4: {  	[dreg:$0x2] =	wrdreg s24  }
0xb5: {  	[dreg:$0x3] =	wrdreg s17  }
0xb6: {  	[dreg:$0x4] =	wrdreg s16  }
0xb7: {  	[dreg:$0x5] =	wrdreg $0x9  }
0xb8: {  	_ =	task.clear_ibuf [dreg:s8], $0x6FFFF;
	_ =	strace $0x90000046  }
0xb9: {  	s29 =	simm.s32 $0x9;
	_ =	strace $0x80000048  }
0xba: {  	_ =	swait.ge [sflag:s29], $0x1  }
0xbb: {  	[sflag:s29] =	ssyncadd.s32 $0xFFFFFFFF  }
0xbc: {  	_ =	strace $0x90000048  }
0xbd: {  	_ =	sfence  }
0xbe: {  	s30 =	sld [smem:$0x0];
	_ =	sdelay $0x2  }
0xbf: {  	s31 =	sshll.u32 s1, $0xD;
	s1 =	sshrl.u32 s1, $0x2  }
0xc0: {  	s3 =	sand.u32 $0x4000, s31;
	s1 =	sadd.s32 s1, s30  }
0xc1: {  	s0 =	sor.u32 s3, s0;
	s1 =	sshll.u32 s1, $0x11  }
0xc2: {  	s0 =	sor.u32 s1, s0  }
0xc3: {  	s0 =	sadd.s32 $0x8F2B, s0  }
0xc4: {  	[sflag:s0] =	ssyncadd.remote.s32 $0x1  }
0xc5: {  	_ =	sfence.sel $0xFFFF  }
0xc6: {  	[dreg:$0x0] =	wrdreg $0xFFFFFFFF;
	(pc) =	sbr.abs _section_cstart, $3  }
0xc7: {  	[dreg:$0x1] =	wrdreg $0xFFFFFFFF  }
0xc8: {  	_ =	task.clear_ibuf [dreg:s8], $0x2FFFF;
	_ =	strace $0x9FFFFFFF  }
0xc9: {  	(tm) =	ssettm $0x7FFFFFFF  }
tec
execute0_lowered:
.L_overlay_start_1:
0x0: {  	(tag) =	ssettag $0x1  }
0x1: {  	s5 =	rddreg [dreg:$0x0]  }
0x2: {  	s3 =	rddreg [dreg:$0x1]  }
0x3: {  	s1 =	srdreg.scid;
	s0 =	stileid.u32  }
0x4: {  	s14 =	rddreg [dreg:$0x2];
	s19 =	sand.u32 $0x1, s1;
	s4 =	sshll.u32 s0, $0x1  }
0x5: {  	s2 =	simm.s32 $0x0;
	s1 =	rddreg [dreg:$0x3];
	s15 =	sor.u32 s19, s4  }
0x6: {  	[smem:$0x7FF] =	sst s2;
	s4 =	sshll.u32 s15, $0x6  }
0x7: {  	_ =	strace $0x80000047;
	s3 =	sadd.s32 s3, s4;
	s4 =	simm.s32 $0x3  }
0x8: {  	[tilespmem:s2], [sflag:$0x3] =	stream.linear.gather [hbm4b:s3+s2], $0x200, $0x38;
	[tilespmem:$0x8200] =	vst v63  }
0x9: {  	_ =	swait.ge [sflag:s4], $0x200  }
0xa: {  	s6 =	simm.s32 $0x80;
	[sflag:s4] =	ssyncset.done $0x0  }
0xb: {  	s7 =	simm.s32 $0x200;
	s5 =	sadd.s32 $0x200, s5;
	[sflag:s4] =	ssyncadd.s32 $0xFFFFFE00  }
0xc: {  	[tilespmem:s7], [sflag:$0x1] =	stream.indirect.gather [hbm4b:s5+s6], $0x40, s2, s6, $0xb8;
	[tilespmem:$0x8200] =	vst v63  }
0xd: {  	s8 =	simm.s32 $0x2200  }
0xe: {  	[tilespmem:s8], [sflag:$0x1] =	stream.indirect.gather [hbm4b:s5+s6], $0x40, s6, s6, $0xb8;
	[tilespmem:$0x8200] =	vst v63  }
0xf: {  	s9 =	simm.s32 $0x100;
	s10 =	simm.s32 $0x4200  }
0x10: {  	[tilespmem:s10], [sflag:$0x1] =	stream.indirect.gather [hbm4b:s5+s6], $0x40, s9, s6, $0xb8;
	[tilespmem:$0x8200] =	vst v63  }
0x11: {  	s11 =	simm.s32 $0x180;
	s12 =	simm.s32 $0x6200;
	s13 =	simm.s32 $0x1  }
0x12: {  	[tilespmem:s12], [sflag:$0x1] =	stream.indirect.gather [hbm4b:s5+s6], $0x40, s11, s6, $0xb8;
	[tilespmem:$0x8200] =	vst v63  }
0x13: {  	_ =	swait.ge [sflag:s13], $0x2000  }
0x14: {  	s15 =	sshll.u32 s15, $0xC;
	[sflag:s13] =	ssyncset.done $0x0  }
0x15: {  	s14 =	sadd.s32 s14, s15;
	[sflag:s13] =	ssyncadd.s32 $0xFFFFE000  }
0x16: {  	[hbm4b:s14+s2] =	stream.linear.scatter [tilespmem:s7], [sflag:$0x2], $0x2000, $0x38;
	[tilespmem:$0x8200] =	vst v63  }
0x17: {  	_ =	swait.ge [sflag:s13], $0x2000  }
0x18: {  	[sflag:s13] =	ssyncset.done $0x0  }
0x19: {  	s15 =	sadd.s32 $0x400, s14;
	[sflag:s13] =	ssyncadd.s32 $0xFFFFE000  }
0x1a: {  	[hbm4b:s15+s2] =	stream.linear.scatter [tilespmem:s8], [sflag:$0x2], $0x2000, $0x38;
	[tilespmem:$0x8200] =	vst v63  }
0x1b: {  	_ =	swait.ge [sflag:s13], $0x2000  }
0x1c: {  	[sflag:s13] =	ssyncset.done $0x0  }
0x1d: {  	s16 =	sadd.s32 $0x800, s14;
	[sflag:s13] =	ssyncadd.s32 $0xFFFFE000  }
0x1e: {  	[hbm4b:s16+s2] =	stream.linear.scatter [tilespmem:s10], [sflag:$0x2], $0x2000, $0x38;
	[tilespmem:$0x8200] =	vst v63  }
0x1f: {  	_ =	swait.ge [sflag:s13], $0x2000  }
0x20: {  	[sflag:s13] =	ssyncset.done $0x0  }
0x21: {  	s17 =	simm.s32 $0x2;
	s18 =	sadd.s32 $0xC00, s14;
	[sflag:s13] =	ssyncadd.s32 $0xFFFFE000  }
0x22: {  	[hbm4b:s18+s2] =	stream.linear.scatter [tilespmem:s12], [sflag:$0x2], $0x2000, $0x38;
	[tilespmem:$0x8200] =	vst v63  }
0x23: {  	_ =	swait.ge [sflag:s17], $0x2000  }
0x24: {  	s19 =	ssub.s32 $0x2, s19;
	[sflag:s17] =	ssyncset.done $0x0  }
0x25: {  	s20 =	sshrl.u32 s19, $0x1;
	[sflag:s17] =	ssyncadd.s32 $0xFFFFE000  }
0x26: {  	s19 =	ssub.s32 s19, s20;
	_ =	swait.ge [sflag:s17], $0x2000  }
0x27: {  	s19 =	smax.u32 s19, $0x1;
	[sflag:s17] =	ssyncset.done $0x0  }
0x28: {  	p0 =	sne.s32 s19, $0x1;
	[sflag:s17] =	ssyncadd.s32 $0xFFFFE000  }
.Ltmp0:
0x29: {  	_ =	swait.ge [sflag:s17], $0x2000;
	(pc) =	sbr.rel @!p0 .LBB2_2-.Ltmp0, $4  }
0x2a: {  	[sflag:s17] =	ssyncset.done $0x0  }
0x2b: {  	[sflag:s17] =	ssyncadd.s32 $0xFFFFE000  }
0x2c: {  	_ =	swait.ge [sflag:s17], $0x2000  }
0x2d: {  	s19 =	sadd.s32 $0xFFFFFFFF, s19;
	[sflag:s17] =	ssyncset.done $0x0  }
.LBB2_1:
0x2e: {  	p0 =	sne.s32 s19, $0x1;
	s19 =	sadd.s32 $0xFFFFFFFF, s19;
	[sflag:s17] =	ssyncadd.s32 $0xFFFFE000  }
0x2f: {  	[tilespmem:s2], [sflag:$0x3] =	stream.linear.gather [hbm4b:s3+s2], $0x200, $0x38;
	[tilespmem:$0x8200] =	vst v63  }
0x30: {  	_ =	swait.ge [sflag:s4], $0x200  }
0x31: {  	[sflag:s4] =	ssyncset.done $0x0  }
0x32: {  	[sflag:s4] =	ssyncadd.s32 $0xFFFFFE00  }
0x33: {  	[tilespmem:s7], [sflag:$0x1] =	stream.indirect.gather [hbm4b:s5+s6], $0x40, s2, s6, $0xb8;
	[tilespmem:$0x8200] =	vst v63  }
0x34: {  	_ = 	snop  }
0x35: {  	[tilespmem:s8], [sflag:$0x1] =	stream.indirect.gather [hbm4b:s5+s6], $0x40, s6, s6, $0xb8;
	[tilespmem:$0x8200] =	vst v63  }
0x36: {  	_ = 	snop  }
0x37: {  	[tilespmem:s10], [sflag:$0x1] =	stream.indirect.gather [hbm4b:s5+s6], $0x40, s9, s6, $0xb8;
	[tilespmem:$0x8200] =	vst v63  }
0x38: {  	_ = 	snop  }
0x39: {  	[tilespmem:s12], [sflag:$0x1] =	stream.indirect.gather [hbm4b:s5+s6], $0x40, s11, s6, $0xb8;
	[tilespmem:$0x8200] =	vst v63  }
0x3a: {  	_ =	swait.ge [sflag:s13], $0x2000  }
0x3b: {  	[sflag:s13] =	ssyncset.done $0x0  }
0x3c: {  	[sflag:s13] =	ssyncadd.s32 $0xFFFFE000  }
0x3d: {  	[hbm4b:s14+s2] =	stream.linear.scatter [tilespmem:s7], [sflag:$0x2], $0x2000, $0x38;
	[tilespmem:$0x8200] =	vst v63  }
0x3e: {  	_ =	swait.ge [sflag:s13], $0x2000  }
0x3f: {  	[sflag:s13] =	ssyncset.done $0x0  }
0x40: {  	[sflag:s13] =	ssyncadd.s32 $0xFFFFE000  }
0x41: {  	[hbm4b:s15+s2] =	stream.linear.scatter [tilespmem:s8], [sflag:$0x2], $0x2000, $0x38;
	[tilespmem:$0x8200] =	vst v63  }
0x42: {  	_ =	swait.ge [sflag:s13], $0x2000  }
0x43: {  	[sflag:s13] =	ssyncset.done $0x0  }
0x44: {  	[sflag:s13] =	ssyncadd.s32 $0xFFFFE000  }
0x45: {  	[hbm4b:s16+s2] =	stream.linear.scatter [tilespmem:s10], [sflag:$0x2], $0x2000, $0x38;
	[tilespmem:$0x8200] =	vst v63  }
0x46: {  	_ =	swait.ge [sflag:s13], $0x2000  }
0x47: {  	[sflag:s13] =	ssyncset.done $0x0  }
0x48: {  	[sflag:s13] =	ssyncadd.s32 $0xFFFFE000  }
0x49: {  	[hbm4b:s18+s2] =	stream.linear.scatter [tilespmem:s12], [sflag:$0x2], $0x2000, $0x38;
	[tilespmem:$0x8200] =	vst v63  }
0x4a: {  	_ =	swait.ge [sflag:s17], $0x2000  }
0x4b: {  	[sflag:s17] =	ssyncset.done $0x0  }
0x4c: {  	[sflag:s17] =	ssyncadd.s32 $0xFFFFE000  }
0x4d: {  	_ =	swait.ge [sflag:s17], $0x2000  }
0x4e: {  	[sflag:s17] =	ssyncset.done $0x0  }
0x4f: {  	[sflag:s17] =	ssyncadd.s32 $0xFFFFE000  }
.Ltmp1:
0x50: {  	_ =	swait.ge [sflag:s17], $0x2000;
	(pc) =	sbr.rel @p0 .LBB2_1-.Ltmp1, $4  }
0x51: {  	[sflag:s17] =	ssyncset.done $0x0  }
0x52: {  	[sflag:s17] =	ssyncadd.s32 $0xFFFFE000  }
0x53: {  	_ =	swait.ge [sflag:s17], $0x2000  }
0x54: {  	[sflag:s17] =	ssyncset.done $0x0  }
.LBB2_2:
0x55: {  	[sflag:s17] =	ssyncadd.s32 $0xFFFFE000  }
0x56: {  	_ =	sfence.sel $0x180000  }
0x57: {  	[bflag:$0x0] =	sbarrier.arrive $0xFFFF  }
0x58: {  	p0 =	sne.s32 s0, $0x0;
	_ =	strace $0x90000047  }
0x59: {  	s0 =	sadd.s32 @!p0 $0x100000, s1;
	[bflag:$0x2] =	sbarrier.arrive $0xFFFF  }
0x5a: {  	[sflag:s0] =	ssyncadd.tile.s32 @!p0 $0x1;
	_ =	shalt  }
.Lfunc_end2:
_tile_overlayer_lowered:
.L_overlay_start_2:
0x5b: {  	(tag) =	ssettag $0x2  }
0x5c: {  	s0 =	rddreg [dreg:$0x0];
	s2 =	stileid.u32  }
0x5d: {  	s1 =	rddreg [dreg:$0x1];
	p0 =	sne.s32 s2, $0x0  }
0x5e: {  	s3 =	rddreg [dreg:$0x2];
	[bflag:$0x3] =	sbarrier.arrive $0xFFFF;
	s2 =	simm.s32 @!p0 $0x1C03  }
0x5f: {  	[timem:s3], [sflag:s2] =	dma.local @!p0 [hbm:s0], s1  }
0x60: {  	s0 =	simm.s32 @!p0 $0x3  }
0x61: {  	_ =	swait.ge @!p0 [sflag:s0], s1  }
0x62: {  	s1 =	ssub.s32 @!p0 $0x0, s1;
	[sflag:s0] =	ssyncset.done @!p0 $0x0  }
0x63: {  	[sflag:s0] =	ssyncadd.s32 @!p0 s1  }
0x64: {  	[bflag:$0x3] =	sbarrier.arrive $0xFFFF  }
0x65: {  	_ =	shalt  }

</sc_bundles>
